<compile_context>
chip_gen: v7x
topology: tpu7x:2x2x1
jax: 0.10.2.dev20260603
libtpu: 0.0.44.dev20260713+nightly
codegen_flags: <defaults>
</compile_context>

<pallas_src>
import functools

import jax
import jax.numpy as jnp
from jax import lax
from jax.experimental import pallas as pl
from jax.experimental.pallas import tpu as pltpu
from jax.experimental.pallas import tpu_sc as plsc

_NUM_CORES = 2
_NUM_SUBCORES = 16
_NW = _NUM_CORES * _NUM_SUBCORES
_CHUNK = 128


@jax.jit
def _gather(table, x):
    b, t = x.shape
    n = b * t
    d = table.shape[1]
    per_w = n // _NW
    n_chunks = per_w // _CHUNK
    w_per_row = t // per_w

    mesh = plsc.VectorSubcoreMesh(core_axis_name="c", subcore_axis_name="s")

    @functools.partial(
        pl.kernel,
        mesh=mesh,
        out_type=jax.ShapeDtypeStruct((n, d), jnp.float32),
        scratch_types=[
            pltpu.VMEM((per_w,), jnp.int32),
            pltpu.VMEM((per_w, d), jnp.float32),
            pltpu.SemaphoreType.DMA,
            pltpu.SemaphoreType.DMA,
            pltpu.SemaphoreType.DMA,
        ],
    )
    def body(table_hbm, x_hbm, out_hbm, idx_v, rows_v, isem, gsem, wsem):
        wid = lax.axis_index("s") * _NUM_CORES + lax.axis_index("c")
        r = wid // w_per_row
        col = (wid % w_per_row) * per_w
        base = wid * per_w
        for j in range(n_chunks):
            pltpu.async_copy(
                x_hbm.at[r, pl.ds(col + j * _CHUNK, _CHUNK)],
                idx_v.at[pl.ds(j * _CHUNK, _CHUNK)],
                isem,
            )
        for j in range(n_chunks):
            pltpu.make_async_copy(
                x_hbm.at[r, pl.ds(col + j * _CHUNK, _CHUNK)],
                idx_v.at[pl.ds(j * _CHUNK, _CHUNK)],
                isem,
            ).wait()
            pltpu.async_copy(
                table_hbm.at[idx_v.at[pl.ds(j * _CHUNK, _CHUNK)]],
                rows_v.at[pl.ds(j * _CHUNK, _CHUNK)],
                gsem,
            )
        for j in range(n_chunks):
            pltpu.make_async_copy(
                table_hbm.at[idx_v.at[pl.ds(j * _CHUNK, _CHUNK)]],
                rows_v.at[pl.ds(j * _CHUNK, _CHUNK)],
                gsem,
            ).wait()
            pltpu.async_copy(
                rows_v.at[pl.ds(j * _CHUNK, _CHUNK)],
                out_hbm.at[pl.ds(base + j * _CHUNK, _CHUNK)],
                wsem,
            )
        for j in range(n_chunks):
            pltpu.make_async_copy(
                rows_v.at[pl.ds(j * _CHUNK, _CHUNK)],
                out_hbm.at[pl.ds(base + j * _CHUNK, _CHUNK)],
                wsem,
            ).wait()

    return body(table, x)


def kernel(x, token_embedding_table):
    b, t = x.shape
    d = token_embedding_table.shape[1]
    out = _gather(token_embedding_table, x)
    return out.reshape(b, t, d)

# --- scband reference (transcript-rebuilt; emitter-appended) ---
"""Pipeline reference for scband-bigram-language-model-30494267801961 (READ-ONLY COPY).

The authoritative reference and input builder live on the scoring server;
editing this copy changes nothing except your own understanding.
"""

import jax, jax.numpy as jnp
import numpy as np

VOCAB_SIZE = 100000
EMB_DIM = 128
B, T = 4, 2048

def setup_inputs(seed: int = 0) -> dict:
    key = jax.random.key(seed)
    k1, k2 = jax.random.split(key)
    x = jax.random.randint(k1, (B, T), 0, VOCAB_SIZE, dtype=jnp.int64 if jax.config.jax_enable_x64 else jnp.int32).astype(jnp.int32)
    # nn.Embedding default init: N(0, 1)
    token_embedding_table = jax.random.normal(k2, (VOCAB_SIZE, EMB_DIM), dtype=jnp.float32)
    return {"x": x, "token_embedding_table": token_embedding_table}

def reference(x, token_embedding_table):
    # logits = self.token_embedding_table(x)  -> gather rows
    logits = jnp.take(token_embedding_table, x, axis=0)
    # targets is None in this configuration, so loss is None; return logits (the
    # only tensor output of the forward pass).
    return logits

if __name__ == "__main__":
    import jax
    _d = setup_inputs()
    print(jax.jit(kernel)(*tuple(_d.values())))

</pallas_src>

<mosaic_0001>
#map = affine_map<(d0, d1) -> (0, 0)>
module attributes {stable_mosaic.version = 14 : i64} {
  func.func @body(%arg0: i32, %arg1: i32, %arg2: memref<100000x128xf32, #tpu.memory_space<hbm>>, %arg3: memref<4x2048xi32, #tpu.memory_space<hbm>>, %arg4: memref<8192x128xf32, #tpu.memory_space<hbm>>, %arg5: memref<256xi32, #tpu.memory_space<vmem>>, %arg6: memref<256x128xf32, #tpu.memory_space<vmem>>, %arg7: memref<!tpu.dma_semaphore, #tpu.memory_space<semaphore_mem>>, %arg8: memref<!tpu.dma_semaphore, #tpu.memory_space<semaphore_mem>>, %arg9: memref<!tpu.dma_semaphore, #tpu.memory_space<semaphore_mem>>) attributes {dimension_semantics = [#tpu.dimension_semantics<core_parallel>, #tpu.dimension_semantics<subcore_parallel>], iteration_bounds = array<i64: 2, 16>, scalar_prefetch = 0 : i64, scratch_operands = 5 : i64, tpu.core_type = #tpu.core_type<sc_vector_subcore>, window_params = [{transform_indices = #map}, {transform_indices = #map}, {transform_indices = #map}]} {
    %mul3A = arith.constant 2 : i32
    %mul3A_0 = arith.muli %arg1, %mul3A : i32
    %add3A = arith.addi %mul3A_0, %arg0 : i32
    %jit3A = arith.constant 8 : i32
    %div3A = arith.divsi %add3A, %jit3A : i32
    %sign3A = arith.constant 0 : i32
    %sign3A_1 = arith.cmpi sgt, %add3A, %sign3A : i32
    %sign3A_2 = arith.extui %sign3A_1 : i1 to i32
    %sign3A_3 = arith.constant 0 : i32
    %sign3A_4 = arith.cmpi slt, %add3A, %sign3A_3 : i32
    %sign3A_5 = arith.extui %sign3A_4 : i1 to i32
    %sign3A_6 = arith.subi %sign3A_2, %sign3A_5 : i32
    %sign3A_7 = arith.constant 0 : i32
    %sign3A_8 = arith.cmpi sgt, %jit3A, %sign3A_7 : i32
    %sign3A_9 = arith.extui %sign3A_8 : i1 to i32
    %sign3A_10 = arith.constant 0 : i32
    %sign3A_11 = arith.cmpi slt, %jit3A, %sign3A_10 : i32
    %sign3A_12 = arith.extui %sign3A_11 : i1 to i32
    %sign3A_13 = arith.subi %sign3A_9, %sign3A_12 : i32
    %ne3A = arith.cmpi ne, %sign3A_6, %sign3A_13 : i32
    %rem3A = arith.remsi %add3A, %jit3A : i32
    %ne3A_14 = arith.constant 0 : i32
    %ne3A_15 = arith.cmpi ne, %rem3A, %ne3A_14 : i32
    %and3A = arith.andi %ne3A, %ne3A_15 : i1
    %sub3A = arith.constant 1 : i32
    %sub3A_16 = arith.subi %div3A, %sub3A : i32
    %select_n3A = arith.select %and3A, %sub3A_16, %div3A : i32
    %jit3A_17 = arith.constant 8 : i32
    %eq3A = arith.constant 0 : i32
    %eq3A_18 = arith.cmpi eq, %jit3A_17, %eq3A : i32
    %jit3A_19 = arith.constant 1 : i32
    %select_n3A_20 = arith.select %eq3A_18, %jit3A_19, %jit3A_17 : i32
    %rem3A_21 = arith.remsi %add3A, %select_n3A_20 : i32
    %ne3A_22 = arith.constant 0 : i32
    %ne3A_23 = arith.cmpi ne, %rem3A_21, %ne3A_22 : i32
    %lt3A = arith.constant 0 : i32
    %lt3A_24 = arith.cmpi slt, %rem3A_21, %lt3A : i32
    %lt3A_25 = arith.constant 0 : i32
    %lt3A_26 = arith.cmpi slt, %select_n3A_20, %lt3A_25 : i32
    %ne3A_27 = arith.xori %lt3A_24, %lt3A_26 : i1
    %and3A_28 = arith.andi %ne3A_27, %ne3A_23 : i1
    %add3A_29 = arith.addi %rem3A_21, %select_n3A_20 : i32
    %select_n3A_30 = arith.select %and3A_28, %add3A_29, %rem3A_21 : i32
    %mul3A_31 = arith.constant 256 : i32
    %mul3A_32 = arith.muli %select_n3A_30, %mul3A_31 : i32
    %mul3A_33 = arith.constant 256 : i32
    %mul3A_34 = arith.muli %add3A, %mul3A_33 : i32
    %add3A_35 = arith.constant 0 : i32
    %add3A_36 = arith.addi %mul3A_32, %add3A_35 : i32
    %dma_start3A = arith.constant 0 : i32
    %dma_start3A_37 = tpu.memref_slice %arg5[%dma_start3A] : memref<256xi32, #tpu.memory_space<vmem>> -> memref<128xi32, #tpu.memory_space<vmem>>
    %dma_start3A_38 = tpu.memref_slice %arg3[%select_n3A, %add3A_36] : memref<4x2048xi32, #tpu.memory_space<hbm>> -> memref<1x128xi32, #tpu.memory_space<hbm>>
    %dma_start3A_39 = tpu.memref_squeeze %dma_start3A_38 : memref<1x128xi32, #tpu.memory_space<hbm>> -> memref<128xi32, #tpu.memory_space<hbm>>
    %dma_start3A_40 = arith.constant 0 : i32
    %dma_start3A_41 = tpu.memref_slice %arg5[%dma_start3A_40] : memref<256xi32, #tpu.memory_space<vmem>> -> memref<128xi32, #tpu.memory_space<vmem>>
    %dma_start3A_42 = tpu.memref_slice %arg3[%select_n3A, %add3A_36] : memref<4x2048xi32, #tpu.memory_space<hbm>> -> memref<1x128xi32, #tpu.memory_space<hbm>>
    %dma_start3A_43 = tpu.memref_squeeze %dma_start3A_42 : memref<1x128xi32, #tpu.memory_space<hbm>> -> memref<128xi32, #tpu.memory_space<hbm>>
    tpu.enqueue_dma source(%dma_start3A_43 : memref<128xi32, #tpu.memory_space<hbm>>) target(%dma_start3A_41 : memref<128xi32, #tpu.memory_space<vmem>>) target_semaphore(%arg7 : memref<!tpu.dma_semaphore, #tpu.memory_space<semaphore_mem>>)
    %add3A_44 = arith.constant 128 : i32
    %add3A_45 = arith.addi %mul3A_32, %add3A_44 : i32
    %dma_start3A_46 = arith.constant 128 : i32
    %dma_start3A_47 = tpu.memref_slice %arg5[%dma_start3A_46] : memref<256xi32, #tpu.memory_space<vmem>> -> memref<128xi32, #tpu.memory_space<vmem>>
    %dma_start3A_48 = tpu.memref_slice %arg3[%select_n3A, %add3A_45] : memref<4x2048xi32, #tpu.memory_space<hbm>> -> memref<1x128xi32, #tpu.memory_space<hbm>>
    %dma_start3A_49 = tpu.memref_squeeze %dma_start3A_48 : memref<1x128xi32, #tpu.memory_space<hbm>> -> memref<128xi32, #tpu.memory_space<hbm>>
    %dma_start3A_50 = arith.constant 128 : i32
    %dma_start3A_51 = tpu.memref_slice %arg5[%dma_start3A_50] : memref<256xi32, #tpu.memory_space<vmem>> -> memref<128xi32, #tpu.memory_space<vmem>>
    %dma_start3A_52 = tpu.memref_slice %arg3[%select_n3A, %add3A_45] : memref<4x2048xi32, #tpu.memory_space<hbm>> -> memref<1x128xi32, #tpu.memory_space<hbm>>
    %dma_start3A_53 = tpu.memref_squeeze %dma_start3A_52 : memref<1x128xi32, #tpu.memory_space<hbm>> -> memref<128xi32, #tpu.memory_space<hbm>>
    tpu.enqueue_dma source(%dma_start3A_53 : memref<128xi32, #tpu.memory_space<hbm>>) target(%dma_start3A_51 : memref<128xi32, #tpu.memory_space<vmem>>) target_semaphore(%arg7 : memref<!tpu.dma_semaphore, #tpu.memory_space<semaphore_mem>>)
    %add3A_54 = arith.constant 0 : i32
    %add3A_55 = arith.addi %mul3A_32, %add3A_54 : i32
    %dma_wait3A = arith.constant 0 : i32
    %dma_wait3A_56 = tpu.memref_slice %arg5[%dma_wait3A] : memref<256xi32, #tpu.memory_space<vmem>> -> memref<128xi32, #tpu.memory_space<vmem>>
    %dma_wait3A_57 = tpu.memref_slice %arg3[%select_n3A, %add3A_55] : memref<4x2048xi32, #tpu.memory_space<hbm>> -> memref<1x128xi32, #tpu.memory_space<hbm>>
    %dma_wait3A_58 = tpu.memref_squeeze %dma_wait3A_57 : memref<1x128xi32, #tpu.memory_space<hbm>> -> memref<128xi32, #tpu.memory_space<hbm>>
    %dma_wait3A_59 = arith.constant 0 : i32
    %dma_wait3A_60 = tpu.memref_slice %arg5[%dma_wait3A_59] : memref<256xi32, #tpu.memory_space<vmem>> -> memref<128xi32, #tpu.memory_space<vmem>>
    %dma_wait3A_61 = tpu.memref_slice %arg3[%select_n3A, %add3A_55] : memref<4x2048xi32, #tpu.memory_space<hbm>> -> memref<1x128xi32, #tpu.memory_space<hbm>>
    %dma_wait3A_62 = tpu.memref_squeeze %dma_wait3A_61 : memref<1x128xi32, #tpu.memory_space<hbm>> -> memref<128xi32, #tpu.memory_space<hbm>>
    tpu.wait_dma2 semaphore(%arg7 : memref<!tpu.dma_semaphore, #tpu.memory_space<semaphore_mem>>) src(%dma_wait3A_62 : memref<128xi32, #tpu.memory_space<hbm>>) dst(%dma_wait3A_60 : memref<128xi32, #tpu.memory_space<vmem>>)
    %dma_start3A_63 = arith.constant 0 : i32
    %dma_start3A_64 = arith.constant 0 : i32
    %dma_start3A_65 = tpu.memref_slice %arg6[%dma_start3A_63, %dma_start3A_64] : memref<256x128xf32, #tpu.memory_space<vmem>> -> memref<128x128xf32, #tpu.memory_space<vmem>>
    %dma_start3A_66 = arith.constant 0 : i32
    %dma_start3A_67 = tpu.memref_slice %arg5[%dma_start3A_66] : memref<256xi32, #tpu.memory_space<vmem>> -> memref<128xi32, #tpu.memory_space<vmem>>
    %dma_start3A_68 = arith.constant 0 : i32
    %dma_start3A_69 = arith.constant 0 : i32
    %dma_start3A_70 = tpu.memref_slice %arg2[%dma_start3A_68, %dma_start3A_69] : memref<100000x128xf32, #tpu.memory_space<hbm>> -> memref<100000x128xf32, #tpu.memory_space<hbm>>
    tpu.enqueue_indirect_dma source(%dma_start3A_70 : memref<100000x128xf32, #tpu.memory_space<hbm>>) target(%dma_start3A_65 : memref<128x128xf32, #tpu.memory_space<vmem>>) offsets(%dma_start3A_67 : memref<128xi32, #tpu.memory_space<vmem>>) semaphore(%arg8 : memref<!tpu.dma_semaphore, #tpu.memory_space<semaphore_mem>>)
    %add3A_71 = arith.constant 128 : i32
    %add3A_72 = arith.addi %mul3A_32, %add3A_71 : i32
    %dma_wait3A_73 = arith.constant 128 : i32
    %dma_wait3A_74 = tpu.memref_slice %arg5[%dma_wait3A_73] : memref<256xi32, #tpu.memory_space<vmem>> -> memref<128xi32, #tpu.memory_space<vmem>>
    %dma_wait3A_75 = tpu.memref_slice %arg3[%select_n3A, %add3A_72] : memref<4x2048xi32, #tpu.memory_space<hbm>> -> memref<1x128xi32, #tpu.memory_space<hbm>>
    %dma_wait3A_76 = tpu.memref_squeeze %dma_wait3A_75 : memref<1x128xi32, #tpu.memory_space<hbm>> -> memref<128xi32, #tpu.memory_space<hbm>>
    %dma_wait3A_77 = arith.constant 128 : i32
    %dma_wait3A_78 = tpu.memref_slice %arg5[%dma_wait3A_77] : memref<256xi32, #tpu.memory_space<vmem>> -> memref<128xi32, #tpu.memory_space<vmem>>
    %dma_wait3A_79 = tpu.memref_slice %arg3[%select_n3A, %add3A_72] : memref<4x2048xi32, #tpu.memory_space<hbm>> -> memref<1x128xi32, #tpu.memory_space<hbm>>
    %dma_wait3A_80 = tpu.memref_squeeze %dma_wait3A_79 : memref<1x128xi32, #tpu.memory_space<hbm>> -> memref<128xi32, #tpu.memory_space<hbm>>
    tpu.wait_dma2 semaphore(%arg7 : memref<!tpu.dma_semaphore, #tpu.memory_space<semaphore_mem>>) src(%dma_wait3A_80 : memref<128xi32, #tpu.memory_space<hbm>>) dst(%dma_wait3A_78 : memref<128xi32, #tpu.memory_space<vmem>>)
    %dma_start3A_81 = arith.constant 128 : i32
    %dma_start3A_82 = arith.constant 0 : i32
    %dma_start3A_83 = tpu.memref_slice %arg6[%dma_start3A_81, %dma_start3A_82] : memref<256x128xf32, #tpu.memory_space<vmem>> -> memref<128x128xf32, #tpu.memory_space<vmem>>
    %dma_start3A_84 = arith.constant 128 : i32
    %dma_start3A_85 = tpu.memref_slice %arg5[%dma_start3A_84] : memref<256xi32, #tpu.memory_space<vmem>> -> memref<128xi32, #tpu.memory_space<vmem>>
    %dma_start3A_86 = arith.constant 0 : i32
    %dma_start3A_87 = arith.constant 0 : i32
    %dma_start3A_88 = tpu.memref_slice %arg2[%dma_start3A_86, %dma_start3A_87] : memref<100000x128xf32, #tpu.memory_space<hbm>> -> memref<100000x128xf32, #tpu.memory_space<hbm>>
    tpu.enqueue_indirect_dma source(%dma_start3A_88 : memref<100000x128xf32, #tpu.memory_space<hbm>>) target(%dma_start3A_83 : memref<128x128xf32, #tpu.memory_space<vmem>>) offsets(%dma_start3A_85 : memref<128xi32, #tpu.memory_space<vmem>>) semaphore(%arg8 : memref<!tpu.dma_semaphore, #tpu.memory_space<semaphore_mem>>)
    %dma_wait3A_89 = arith.constant 0 : i32
    %dma_wait3A_90 = arith.constant 0 : i32
    %dma_wait3A_91 = tpu.memref_slice %arg6[%dma_wait3A_89, %dma_wait3A_90] : memref<256x128xf32, #tpu.memory_space<vmem>> -> memref<128x128xf32, #tpu.memory_space<vmem>>
    %dma_wait3A_92 = arith.constant 0 : i32
    %dma_wait3A_93 = tpu.memref_slice %arg5[%dma_wait3A_92] : memref<256xi32, #tpu.memory_space<vmem>> -> memref<128xi32, #tpu.memory_space<vmem>>
    %dma_wait3A_94 = arith.constant 0 : i32
    %dma_wait3A_95 = arith.constant 0 : i32
    %dma_wait3A_96 = tpu.memref_slice %arg2[%dma_wait3A_94, %dma_wait3A_95] : memref<100000x128xf32, #tpu.memory_space<hbm>> -> memref<100000x128xf32, #tpu.memory_space<hbm>>
    tpu.wait_indirect_dma semaphore(%arg8 : memref<!tpu.dma_semaphore, #tpu.memory_space<semaphore_mem>>) src(%dma_wait3A_96 : memref<100000x128xf32, #tpu.memory_space<hbm>>) dst(%dma_wait3A_91 : memref<128x128xf32, #tpu.memory_space<vmem>>)
    %add3A_97 = arith.constant 0 : i32
    %add3A_98 = arith.addi %mul3A_34, %add3A_97 : i32
    %dma_start3A_99 = arith.constant 0 : i32
    %dma_start3A_100 = arith.constant 0 : i32
    %dma_start3A_101 = tpu.memref_slice %arg6[%dma_start3A_99, %dma_start3A_100] : memref<256x128xf32, #tpu.memory_space<vmem>> -> memref<128x128xf32, #tpu.memory_space<vmem>>
    %dma_start3A_102 = arith.constant 0 : i32
    %dma_start3A_103 = tpu.memref_slice %arg4[%add3A_98, %dma_start3A_102] : memref<8192x128xf32, #tpu.memory_space<hbm>> -> memref<128x128xf32, #tpu.memory_space<hbm>>
    %dma_start3A_104 = arith.constant 0 : i32
    %dma_start3A_105 = tpu.memref_slice %arg4[%add3A_98, %dma_start3A_104] : memref<8192x128xf32, #tpu.memory_space<hbm>> -> memref<128x128xf32, #tpu.memory_space<hbm>>
    %dma_start3A_106 = arith.constant 0 : i32
    %dma_start3A_107 = arith.constant 0 : i32
    %dma_start3A_108 = tpu.memref_slice %arg6[%dma_start3A_106, %dma_start3A_107] : memref<256x128xf32, #tpu.memory_space<vmem>> -> memref<128x128xf32, #tpu.memory_space<vmem>>
    tpu.enqueue_dma source(%dma_start3A_108 : memref<128x128xf32, #tpu.memory_space<vmem>>) target(%dma_start3A_105 : memref<128x128xf32, #tpu.memory_space<hbm>>) target_semaphore(%arg9 : memref<!tpu.dma_semaphore, #tpu.memory_space<semaphore_mem>>)
    %dma_wait3A_109 = arith.constant 128 : i32
    %dma_wait3A_110 = arith.constant 0 : i32
    %dma_wait3A_111 = tpu.memref_slice %arg6[%dma_wait3A_109, %dma_wait3A_110] : memref<256x128xf32, #tpu.memory_space<vmem>> -> memref<128x128xf32, #tpu.memory_space<vmem>>
    %dma_wait3A_112 = arith.constant 128 : i32
    %dma_wait3A_113 = tpu.memref_slice %arg5[%dma_wait3A_112] : memref<256xi32, #tpu.memory_space<vmem>> -> memref<128xi32, #tpu.memory_space<vmem>>
    %dma_wait3A_114 = arith.constant 0 : i32
    %dma_wait3A_115 = arith.constant 0 : i32
    %dma_wait3A_116 = tpu.memref_slice %arg2[%dma_wait3A_114, %dma_wait3A_115] : memref<100000x128xf32, #tpu.memory_space<hbm>> -> memref<100000x128xf32, #tpu.memory_space<hbm>>
    tpu.wait_indirect_dma semaphore(%arg8 : memref<!tpu.dma_semaphore, #tpu.memory_space<semaphore_mem>>) src(%dma_wait3A_116 : memref<100000x128xf32, #tpu.memory_space<hbm>>) dst(%dma_wait3A_111 : memref<128x128xf32, #tpu.memory_space<vmem>>)
    %add3A_117 = arith.constant 128 : i32
    %add3A_118 = arith.addi %mul3A_34, %add3A_117 : i32
    %dma_start3A_119 = arith.constant 128 : i32
    %dma_start3A_120 = arith.constant 0 : i32
    %dma_start3A_121 = tpu.memref_slice %arg6[%dma_start3A_119, %dma_start3A_120] : memref<256x128xf32, #tpu.memory_space<vmem>> -> memref<128x128xf32, #tpu.memory_space<vmem>>
    %dma_start3A_122 = arith.constant 0 : i32
    %dma_start3A_123 = tpu.memref_slice %arg4[%add3A_118, %dma_start3A_122] : memref<8192x128xf32, #tpu.memory_space<hbm>> -> memref<128x128xf32, #tpu.memory_space<hbm>>
    %dma_start3A_124 = arith.constant 0 : i32
    %dma_start3A_125 = tpu.memref_slice %arg4[%add3A_118, %dma_start3A_124] : memref<8192x128xf32, #tpu.memory_space<hbm>> -> memref<128x128xf32, #tpu.memory_space<hbm>>
    %dma_start3A_126 = arith.constant 128 : i32
    %dma_start3A_127 = arith.constant 0 : i32
    %dma_start3A_128 = tpu.memref_slice %arg6[%dma_start3A_126, %dma_start3A_127] : memref<256x128xf32, #tpu.memory_space<vmem>> -> memref<128x128xf32, #tpu.memory_space<vmem>>
    tpu.enqueue_dma source(%dma_start3A_128 : memref<128x128xf32, #tpu.memory_space<vmem>>) target(%dma_start3A_125 : memref<128x128xf32, #tpu.memory_space<hbm>>) target_semaphore(%arg9 : memref<!tpu.dma_semaphore, #tpu.memory_space<semaphore_mem>>)
    %add3A_129 = arith.constant 0 : i32
    %add3A_130 = arith.addi %mul3A_34, %add3A_129 : i32
    %dma_wait3A_131 = arith.constant 0 : i32
    %dma_wait3A_132 = arith.constant 0 : i32
    %dma_wait3A_133 = tpu.memref_slice %arg6[%dma_wait3A_131, %dma_wait3A_132] : memref<256x128xf32, #tpu.memory_space<vmem>> -> memref<128x128xf32, #tpu.memory_space<vmem>>
    %dma_wait3A_134 = arith.constant 0 : i32
    %dma_wait3A_135 = tpu.memref_slice %arg4[%add3A_130, %dma_wait3A_134] : memref<8192x128xf32, #tpu.memory_space<hbm>> -> memref<128x128xf32, #tpu.memory_space<hbm>>
    %dma_wait3A_136 = arith.constant 0 : i32
    %dma_wait3A_137 = tpu.memref_slice %arg4[%add3A_130, %dma_wait3A_136] : memref<8192x128xf32, #tpu.memory_space<hbm>> -> memref<128x128xf32, #tpu.memory_space<hbm>>
    %dma_wait3A_138 = arith.constant 0 : i32
    %dma_wait3A_139 = arith.constant 0 : i32
    %dma_wait3A_140 = tpu.memref_slice %arg6[%dma_wait3A_138, %dma_wait3A_139] : memref<256x128xf32, #tpu.memory_space<vmem>> -> memref<128x128xf32, #tpu.memory_space<vmem>>
    tpu.wait_dma2 semaphore(%arg9 : memref<!tpu.dma_semaphore, #tpu.memory_space<semaphore_mem>>) src(%dma_wait3A_140 : memref<128x128xf32, #tpu.memory_space<vmem>>) dst(%dma_wait3A_137 : memref<128x128xf32, #tpu.memory_space<hbm>>)
    %add3A_141 = arith.constant 128 : i32
    %add3A_142 = arith.addi %mul3A_34, %add3A_141 : i32
    %dma_wait3A_143 = arith.constant 128 : i32
    %dma_wait3A_144 = arith.constant 0 : i32
    %dma_wait3A_145 = tpu.memref_slice %arg6[%dma_wait3A_143, %dma_wait3A_144] : memref<256x128xf32, #tpu.memory_space<vmem>> -> memref<128x128xf32, #tpu.memory_space<vmem>>
    %dma_wait3A_146 = arith.constant 0 : i32
    %dma_wait3A_147 = tpu.memref_slice %arg4[%add3A_142, %dma_wait3A_146] : memref<8192x128xf32, #tpu.memory_space<hbm>> -> memref<128x128xf32, #tpu.memory_space<hbm>>
    %dma_wait3A_148 = arith.constant 0 : i32
    %dma_wait3A_149 = tpu.memref_slice %arg4[%add3A_142, %dma_wait3A_148] : memref<8192x128xf32, #tpu.memory_space<hbm>> -> memref<128x128xf32, #tpu.memory_space<hbm>>
    %dma_wait3A_150 = arith.constant 128 : i32
    %dma_wait3A_151 = arith.constant 0 : i32
    %dma_wait3A_152 = tpu.memref_slice %arg6[%dma_wait3A_150, %dma_wait3A_151] : memref<256x128xf32, #tpu.memory_space<vmem>> -> memref<128x128xf32, #tpu.memory_space<vmem>>
    tpu.wait_dma2 semaphore(%arg9 : memref<!tpu.dma_semaphore, #tpu.memory_space<semaphore_mem>>) src(%dma_wait3A_152 : memref<128x128xf32, #tpu.memory_space<vmem>>) dst(%dma_wait3A_149 : memref<128x128xf32, #tpu.memory_space<hbm>>)
    return
  }
}

</mosaic_0001>

<sc_bundles>
// kernel: _gather.3.cloned.1.call-start
scs
__scs_entry_jumppad:
0x0: {  	(pc) =	sbr.rel $0x88, $3  }
0x1: {  	(tag) =	ssettag $0x0;
	lr =	simm.s32 $0x1  }
0x2: {  	[smem:$0x3F9F] =	sst lr;
	_ =	strace $0xD0000000  }
0x3: {  	_ = 	snop  }
0x4: {  	_ = 	snop  }
0x5: {  	_ = 	snop  }
0x6: {  	_ = 	snop  }
0x7: {  	_ = 	snop  }
__scs_overlays_trampoline_lowered:
0x8: {  	[smem:$0x3FAE] =	sst s0  }
0x9: {  	[smem:$0x3FAF] =	sst s1  }
0xa: {  	[smem:$0x3FB0] =	sst s2  }
0xb: {  	[smem:$0x3FB1] =	sst s3  }
0xc: {  	[smem:$0x3FB2] =	sst s4  }
0xd: {  	[smem:$0x3FB3] =	sst s5  }
0xe: {  	[smem:$0x3FB4] =	sst s6  }
0xf: {  	[smem:$0x3FB5] =	sst s7  }
0x10: {  	[smem:$0x3FB6] =	sst s8  }
0x11: {  	[smem:$0x3FB7] =	sst s9;
	s0 =	simm.s32 @!p0 $0x0  }
0x12: {  	s1 =	sld [smem:$0x3F9D];
	s0 =	simm.s32 @p0 $0x1  }
0x13: {  	[smem:$0x3FB8] =	sst s0;
	s0 =	simm.s32 @!p1 $0x0  }
0x14: {  	s2 =	sld [smem:$0x3F9C];
	s0 =	simm.s32 @p1 $0x1  }
0x15: {  	[smem:$0x3FB9] =	sst s0;
	s0 =	simm.s32 @!p2 $0x0  }
0x16: {  	s3 =	sld [smem:$0x3FDB];
	s0 =	simm.s32 @p2 $0x1  }
0x17: {  	s4 =	simm.s32 $0x1BF5;
	[smem:$0x3FBB] =	sst s0  }
0x18: {  	s0 =	sld [smem:$0x3F9E];
	_ =	swait.ge [sflag:s4], $0x0  }
0x19: {  	s7 =	sld [smem:$0x3F9F]  }
0x1a: {  	s8 =	sadd.s32 $0xFFFFE003, lr  }
0x1b: {  	s9 =	sadd.s32 $0xFFFFFEF7, lr;
	s5 =	simm.s32 $0xFFFFFFFF;
	p2 =	slt.u32 s8, $0xFFFFF086  }
0x1c: {  	p1 =	slt.u32 s9, $0xF7A;
	s5 =	simm.s32 @!p2 $0x0  }
0x1d: {  	s5 =	simm.s32 @p1 $0x1;
	p0 =	seq.s32 s7, s2  }
0x1e: {  	s7 =	smul.u32 @!p0 $0xF7A, s2;
	p2 =	seq.s32 @!p0 s5, $0x0  }
0x1f: {  	s9 =	smul.u32 $0xF7A, s1;
	s8 =	simm.s32 @!p0 $0x1BF5;
	p2 =	por !p2, p0  }
0x20: {  	[sflag:s8] =	ssyncset.s32 @!p0 $0xFFFFF086;
	s6 =	sadd.s32 @!p0 s3, s7;
	s7 =	simm.s32 @!p0 $0x108  }
0x21: {  	s3 =	sadd.s32 s3, s9;
	s6 =	sadd.s32 @!p0 $0x88, s6;
	s7 =	simm.s32 @p2 $0x1082  }
0x22: {  	[simem:s7], [sflag:s8] =	dma.local @!p0 [hbm:s6], $0xF7A  }
0x23: {  	s9 =	sor.u32 $0xD0000000, s2;
	s6 =	simm.s32 $0x108;
	_ =	swait.ge @!p0 [sflag:s8], $0x0  }
0x24: {  	s3 =	sadd.s32 $0x88, s3;
	s6 =	simm.s32 @!p1 $0x1082;
	[sflag:s4] =	ssyncset.s32 $0xFFFFF086  }
0x25: {  	[simem:s6], [sflag:s4] =	dma.local [hbm:s3], $0xF7A  }
0x26: {  	[smem:$0x3F9F] =	sst s1;
	(tag) =	ssettag s2;
	_ =	strace s9  }
0x27: {  	s1 =	sld [smem:$0x3FAF]  }
0x28: {  	s2 =	sld [smem:$0x3FB0]  }
0x29: {  	s4 =	sld [smem:$0x3FB2]  }
0x2a: {  	p0 =	seq.s32 s5, $0x0;
	s5 =	sld [smem:$0x3FB3]  }
0x2b: {  	s6 =	sld [smem:$0x3FB4]  }
0x2c: {  	s7 =	sld [smem:$0x3FB5]  }
0x2d: {  	s3 =	simm.s32 $0x108;
	s8 =	sld [smem:$0x3FB6]  }
0x2e: {  	s3 =	simm.s32 @!p0 $0x1082;
	s9 =	sld [smem:$0x3FB7]  }
0x2f: {  	lr =	sadd.s32 s0, s3;
	s0 =	sld [smem:$0x3FAE]  }
0x30: {  	s3 =	sld [smem:$0x3FB1]  }
0x31: {  	[smem:$0x3FBA] =	sst s10  }
0x32: {  	s10 =	sld [smem:$0x3FB8];
	_ =	sdelay $0x3  }
0x33: {  	p0 =	seq.s32 s10, $0x1;
	s10 =	sld [smem:$0x3FBA];
	_ =	sdelay $0x3  }
0x34: {  	[smem:$0x3FBA] =	sst s10  }
0x35: {  	s10 =	sld [smem:$0x3FB9];
	_ =	sdelay $0x3  }
0x36: {  	p1 =	seq.s32 s10, $0x1;
	s10 =	sld [smem:$0x3FBA];
	_ =	sdelay $0x3  }
0x37: {  	[smem:$0x3FBA] =	sst s10  }
0x38: {  	s10 =	sld [smem:$0x3FBB]  }
0x39: {  	_ = 	snop;
	(pc) =	sbr.ind lr, $3  }
0x3a: {  	_ = 	snop  }
0x3b: {  	_ = 	snop  }
0x3c: {  	p2 =	seq.s32 s10, $0x1;
	s10 =	sld [smem:$0x3FBA]  }
0x3d: {  	_ =	shalt  }
0x3e: {  	_ =	shalt  }
0x3f: {  	_ =	shalt  }
0x40: {  	_ =	shalt  }
0x41: {  	_ =	shalt  }
0x42: {  	_ =	shalt  }
0x43: {  	_ =	shalt  }
0x44: {  	_ =	shalt  }
0x45: {  	_ =	shalt  }
0x46: {  	_ =	shalt  }
0x47: {  	_ =	shalt  }
0x48: {  	_ =	shalt  }
0x49: {  	_ =	shalt  }
0x4a: {  	_ =	shalt  }
0x4b: {  	_ =	shalt  }
0x4c: {  	_ =	shalt  }
0x4d: {  	_ =	shalt  }
0x4e: {  	_ =	shalt  }
0x4f: {  	_ =	shalt  }
0x50: {  	_ =	shalt  }
0x51: {  	_ =	shalt  }
0x52: {  	_ =	shalt  }
0x53: {  	_ =	shalt  }
0x54: {  	_ =	shalt  }
0x55: {  	_ =	shalt  }
0x56: {  	_ =	shalt  }
0x57: {  	_ =	shalt  }
0x58: {  	_ =	shalt  }
0x59: {  	_ =	shalt  }
0x5a: {  	_ =	shalt  }
0x5b: {  	_ =	shalt  }
0x5c: {  	_ =	shalt  }
0x5d: {  	_ =	shalt  }
0x5e: {  	_ =	shalt  }
0x5f: {  	_ =	shalt  }
0x60: {  	_ =	shalt  }
0x61: {  	_ =	shalt  }
0x62: {  	_ =	shalt  }
0x63: {  	_ =	shalt  }
0x64: {  	_ =	shalt  }
0x65: {  	_ =	shalt  }
0x66: {  	_ =	shalt  }
0x67: {  	_ =	shalt  }
0x68: {  	_ =	shalt  }
0x69: {  	_ =	shalt  }
0x6a: {  	_ =	shalt  }
0x6b: {  	_ =	shalt  }
0x6c: {  	_ =	shalt  }
0x6d: {  	_ =	shalt  }
0x6e: {  	_ =	shalt  }
0x6f: {  	_ =	shalt  }
0x70: {  	_ =	shalt  }
0x71: {  	_ =	shalt  }
0x72: {  	_ =	shalt  }
0x73: {  	_ =	shalt  }
0x74: {  	_ =	shalt  }
0x75: {  	_ =	shalt  }
0x76: {  	_ =	shalt  }
0x77: {  	_ =	shalt  }
0x78: {  	_ =	shalt  }
0x79: {  	_ =	shalt  }
0x7a: {  	_ =	shalt  }
0x7b: {  	_ =	shalt  }
0x7c: {  	_ =	shalt  }
0x7d: {  	_ =	shalt  }
0x7e: {  	_ =	shalt  }
0x7f: {  	_ =	shalt  }
0x80: {  	_ =	shalt  }
0x81: {  	_ =	shalt  }
0x82: {  	_ =	shalt  }
0x83: {  	_ =	shalt  }
0x84: {  	_ =	shalt  }
0x85: {  	_ =	shalt  }
0x86: {  	_ =	shalt  }
0x87: {  	_ =	shalt  }
.Lfunc_end0:
.L_simem_size_0:
called_computation_lowered:
.L_overlay_start_0:
0x88: {  	s2 =	sld [smem:$0x3FD9]  }
0x89: {  	s3 =	sld [smem:$0x3FFE];
	_ =	sdelay $0x1  }
0x8a: {  	s1 =	srdreg.scid  }
0x8b: {  	s0 =	sand.u32 $0x1, s1  }
0x8c: {  	s18 =	sshll.u32 s0, $0xA;
	s2 =	sadd.s32 s3, s2  }
0x8d: {  	s2 =	sadd.s32 s2, s18  }
0x8e: {  	[smem:$0x3FC6] =	sst s2  }
0x8f: {  	_ = 	snop  }
0x90: {  	s2 =	sld [smem:$0x3FC9]  }
0x91: {  	s19 =	sld [smem:$0x3FC8]  }
0x92: {  	s4 =	sld [smem:$0x3FD0];
	(tm) =	ssettm $0x1  }
0x93: {  	s5 =	sld [smem:$0x3FFB];
	_ =	sdelay $0x3  }
0x94: {  	_ =	strace s5  }
0x95: {  	s5 =	sld [smem:$0x3FFC];
	_ =	sdelay $0x3  }
0x96: {  	_ =	strace s5  }
0x97: {  	s5 =	sld [smem:$0x3FFD];
	_ =	sdelay $0x3  }
0x98: {  	_ =	strace s5  }
0x99: {  	_ =	strace $0x8FFFFFFF  }
0x9a: {  	s20 =	sld [smem:$0x3FDB];
	_ =	sdelay $0x1  }
0x9b: {  	s6 =	simm.s32 $_scs_section_size  }
0x9c: {  	s7 =	simm.s32 $_size__tile_overlayer_lowered;
	s8 =	simm.s32 $_tile_overlayer_lowered  }
0x9d: {  	s23 =	simm.s32 $0x1BFF;
	s22 =	sshll.u32 s8, $0x1;
	s5 =	sadd.s32 s6, s20  }
0x9e: {  	s9 =	simm.s32 $0x0;
	s21 =	sshll.u32 s7, $0x1;
	s7 =	sadd.s32 s22, s5  }
0x9f: {  	[timem:s9], [sflag:s23] =	dma.local [hbm:s7], s21  }
0xa0: {  	_ =	swait.ge [sflag:s23], s21  }
0xa1: {  	s6 =	ssub.s32 $0x0, s21;
	[sflag:s23] =	ssyncset.done $0x0  }
0xa2: {  	[sflag:s23] =	ssyncadd.s32 s6;
	_ =	sdelay $0x1  }
0xa3: {  	s24 =	simm.s32 $0x1B8B  }
0xa4: {  	_ =	swait.ge [sflag:s24], $0x1  }
0xa5: {  	[sflag:s24] =	ssyncset.done $0x0  }
0xa6: {  	s25 =	simm.s32 $0x1B8E;
	[sflag:s24] =	ssyncadd.s32 $0xFFFFFFFF  }
0xa7: {  	s26 =	simm.s32 $execute0_lowered;
	[smem:$0x3FD2] =	sst s25  }
0xa8: {  	s6 =	sshll.u32 s26, $0x1;
	_ =	strace $0x80000046;
	[dreg:$0x1] =	wrdreg $0xFFFFFFFF  }
0xa9: {  	s28 =	simm.s32 $_size_execute0_lowered;
	s5 =	sadd.s32 s5, s6;
	[dreg:$0x0] =	wrdreg $0x0  }
0xaa: {  	s6 =	sshll.u32 s28, $0x1;
	[dreg:$0x2] =	wrdreg s5  }
0xab: {  	[dreg:$0x3] =	wrdreg s6  }
0xac: {  	[dreg:$0x4] =	wrdreg $0xC0  }
0xad: {  	_ =	task [dreg:s9], $0x5FFFF  }
0xae: {  	[dreg:$0x1] =	wrdreg $0xFFFFFFFF  }
0xaf: {  	[dreg:$0x0] =	wrdreg $0x60  }
0xb0: {  	[dreg:$0x2] =	wrdreg s2  }
0xb1: {  	[dreg:$0x3] =	wrdreg s19  }
0xb2: {  	[dreg:$0x4] =	wrdreg s4  }
0xb3: {  	[dreg:$0x5] =	wrdreg $0x9  }
0xb4: {  	_ =	task.clear_ibuf [dreg:s9], $0x6FFFF;
	_ =	strace $0x90000046  }
0xb5: {  	s29 =	simm.s32 $0x9;
	_ =	strace $0x80000048  }
0xb6: {  	_ =	swait.ge [sflag:s29], $0x1  }
0xb7: {  	[sflag:s29] =	ssyncadd.s32 $0xFFFFFFFF  }
0xb8: {  	_ =	strace $0x90000048  }
0xb9: {  	_ =	sfence  }
0xba: {  	s30 =	sld [smem:$0x0];
	_ =	sdelay $0x2  }
0xbb: {  	s31 =	sshll.u32 s1, $0xD;
	s1 =	sshrl.u32 s1, $0x2  }
0xbc: {  	s3 =	sand.u32 $0x4000, s31;
	s1 =	sadd.s32 s1, s30  }
0xbd: {  	s0 =	sor.u32 s3, s0;
	s1 =	sshll.u32 s1, $0x11  }
0xbe: {  	s0 =	sor.u32 s1, s0  }
0xbf: {  	s0 =	sadd.s32 $0x8F2B, s0  }
0xc0: {  	[sflag:s0] =	ssyncadd.remote.s32 $0x1  }
0xc1: {  	_ =	sfence.sel $0xFFFF  }
0xc2: {  	[dreg:$0x0] =	wrdreg $0xFFFFFFFF;
	(pc) =	sbr.abs _section_cstart, $3  }
0xc3: {  	[dreg:$0x1] =	wrdreg $0xFFFFFFFF  }
0xc4: {  	_ =	task.clear_ibuf [dreg:s9], $0x2FFFF;
	_ =	strace $0x9FFFFFFF  }
0xc5: {  	(tm) =	ssettm $0x7FFFFFFF  }
tec
execute0_lowered:
.L_overlay_start_1:
0x0: {  	(tag) =	ssettag $0x1  }
0x1: {  	s2 =	srdreg.scid;
	s0 =	stileid.u32  }
0x2: {  	s12 =	sand.u32 $0x1, s2;
	s31 =	sshll.u32 s0, $0x1  }
0x3: {  	s1 =	rddreg [dreg:$0x0];
	s11 =	sor.u32 s12, s31  }
0x4: {  	s4 =	rddreg [dreg:$0x1];
	s6 =	sshll.u32 s0, $0x2;
	s5 =	sshll.u32 s11, $0x7  }
0x5: {  	s13 =	rddreg [dreg:$0x2];
	s3 =	simm.s32 $0x0;
	s5 =	sor.u32 s6, s5  }
0x6: {  	[smem:$0x7FF] =	sst s3;
	s5 =	sand.u32 $0x3B0, s5  }
0x7: {  	s2 =	rddreg [dreg:$0x3];
	_ =	strace $0x80000047;
	s4 =	sadd.s32 s4, s5  }
0x8: {  	[tilespmem:s3], [sflag:$0x1] =	stream.linear.gather [hbm4b:s4+s3], $0x80, $0x38;
	[tilespmem:$0x8100] =	vst v63  }
0x9: {  	s7 =	simm.s32 $0x1;
	s6 =	simm.s32 $0x80;
	s5 =	sadd.s32 $0x40, s4  }
0xa: {  	[tilespmem:s6], [sflag:$0x1] =	stream.linear.gather [hbm4b:s5+s3], $0x80, $0x38;
	[tilespmem:$0x8100] =	vst v63  }
0xb: {  	_ =	swait.ge [sflag:s7], $0x80  }
0xc: {  	[sflag:s7] =	ssyncset.done $0x0  }
0xd: {  	s8 =	simm.s32 $0x100;
	[sflag:s7] =	ssyncadd.s32 $0xFFFFFF80  }
0xe: {  	[tilespmem:s8], [sflag:$0x2] =	stream.indirect.gather [hbm4b:s1+s6], $0x80, s3, s6, $0xb8;
	[tilespmem:$0x8100] =	vst v63  }
0xf: {  	_ =	swait.ge [sflag:s7], $0x80  }
0x10: {  	[sflag:s7] =	ssyncset.done $0x0  }
0x11: {  	s9 =	simm.s32 $0x4100;
	s10 =	simm.s32 $0x2;
	[sflag:s7] =	ssyncadd.s32 $0xFFFFFF80  }
0x12: {  	[tilespmem:s9], [sflag:$0x2] =	stream.indirect.gather [hbm4b:s1+s6], $0x80, s6, s6, $0xb8;
	[tilespmem:$0x8100] =	vst v63  }
0x13: {  	_ =	swait.ge [sflag:s10], $0x4000  }
0x14: {  	s14 =	ssub.s32 $0x2, s12;
	s11 =	sshll.u32 s11, $0xC;
	[sflag:s10] =	ssyncset.done $0x0  }
0x15: {  	s15 =	sshrl.u32 s14, $0x1;
	s11 =	sadd.s32 s13, s11;
	[sflag:s10] =	ssyncadd.s32 $0xFFFFC000  }
0x16: {  	[hbm4b:s11+s3] =	stream.linear.scatter [tilespmem:s8], [sflag:$0x3], $0x4000, $0x38;
	[tilespmem:$0x8100] =	vst v63  }
0x17: {  	s14 =	ssub.s32 s14, s15;
	_ =	swait.ge [sflag:s10], $0x4000  }
0x18: {  	s12 =	simm.s32 $0x3;
	s14 =	smax.u32 s14, $0x1;
	[sflag:s10] =	ssyncset.done $0x0  }
0x19: {  	s13 =	sadd.s32 $0x800, s11;
	p0 =	sne.s32 s14, $0x1;
	[sflag:s10] =	ssyncadd.s32 $0xFFFFC000  }
0x1a: {  	[hbm4b:s13+s3] =	stream.linear.scatter [tilespmem:s9], [sflag:$0x3], $0x4000, $0x38;
	[tilespmem:$0x8100] =	vst v63  }
.Ltmp0:
0x1b: {  	_ =	swait.ge [sflag:s12], $0x4000;
	(pc) =	sbr.rel @!p0 .LBB2_2-.Ltmp0, $4  }
0x1c: {  	[sflag:s12] =	ssyncset.done $0x0  }
0x1d: {  	[sflag:s12] =	ssyncadd.s32 $0xFFFFC000  }
0x1e: {  	_ =	swait.ge [sflag:s12], $0x4000  }
0x1f: {  	s14 =	sadd.s32 $0xFFFFFFFF, s14;
	[sflag:s12] =	ssyncset.done $0x0  }
.LBB2_1:
0x20: {  	p0 =	sne.s32 s14, $0x1;
	s14 =	sadd.s32 $0xFFFFFFFF, s14;
	[sflag:s12] =	ssyncadd.s32 $0xFFFFC000  }
0x21: {  	[tilespmem:s3], [sflag:$0x1] =	stream.linear.gather [hbm4b:s4+s3], $0x80, $0x38;
	[tilespmem:$0x8100] =	vst v63  }
0x22: {  	_ = 	snop  }
0x23: {  	[tilespmem:s6], [sflag:$0x1] =	stream.linear.gather [hbm4b:s5+s3], $0x80, $0x38;
	[tilespmem:$0x8100] =	vst v63  }
0x24: {  	_ =	swait.ge [sflag:s7], $0x80  }
0x25: {  	[sflag:s7] =	ssyncset.done $0x0  }
0x26: {  	[sflag:s7] =	ssyncadd.s32 $0xFFFFFF80  }
0x27: {  	[tilespmem:s8], [sflag:$0x2] =	stream.indirect.gather [hbm4b:s1+s6], $0x80, s3, s6, $0xb8;
	[tilespmem:$0x8100] =	vst v63  }
0x28: {  	_ =	swait.ge [sflag:s7], $0x80  }
0x29: {  	[sflag:s7] =	ssyncset.done $0x0  }
0x2a: {  	[sflag:s7] =	ssyncadd.s32 $0xFFFFFF80  }
0x2b: {  	[tilespmem:s9], [sflag:$0x2] =	stream.indirect.gather [hbm4b:s1+s6], $0x80, s6, s6, $0xb8;
	[tilespmem:$0x8100] =	vst v63  }
0x2c: {  	_ =	swait.ge [sflag:s10], $0x4000  }
0x2d: {  	[sflag:s10] =	ssyncset.done $0x0  }
0x2e: {  	[sflag:s10] =	ssyncadd.s32 $0xFFFFC000  }
0x2f: {  	[hbm4b:s11+s3] =	stream.linear.scatter [tilespmem:s8], [sflag:$0x3], $0x4000, $0x38;
	[tilespmem:$0x8100] =	vst v63  }
0x30: {  	_ =	swait.ge [sflag:s10], $0x4000  }
0x31: {  	[sflag:s10] =	ssyncset.done $0x0  }
0x32: {  	[sflag:s10] =	ssyncadd.s32 $0xFFFFC000  }
0x33: {  	[hbm4b:s13+s3] =	stream.linear.scatter [tilespmem:s9], [sflag:$0x3], $0x4000, $0x38;
	[tilespmem:$0x8100] =	vst v63  }
.Ltmp1:
0x34: {  	_ =	swait.ge [sflag:s12], $0x4000;
	(pc) =	sbr.rel @p0 .LBB2_1-.Ltmp1, $4  }
0x35: {  	[sflag:s12] =	ssyncset.done $0x0  }
0x36: {  	[sflag:s12] =	ssyncadd.s32 $0xFFFFC000  }
0x37: {  	_ =	swait.ge [sflag:s12], $0x4000  }
0x38: {  	[sflag:s12] =	ssyncset.done $0x0  }
.LBB2_2:
0x39: {  	[sflag:s12] =	ssyncadd.s32 $0xFFFFC000  }
0x3a: {  	_ =	sfence.sel $0x180000  }
0x3b: {  	[bflag:$0x0] =	sbarrier.arrive $0xFFFF  }
0x3c: {  	p0 =	sne.s32 s0, $0x0;
	_ =	strace $0x90000047  }
0x3d: {  	s0 =	sadd.s32 @!p0 $0x100000, s2;
	[bflag:$0x2] =	sbarrier.arrive $0xFFFF  }
0x3e: {  	[sflag:s0] =	ssyncadd.tile.s32 @!p0 $0x1;
	_ =	shalt  }
.Lfunc_end2:
_tile_overlayer_lowered:
.L_overlay_start_2:
0x3f: {  	(tag) =	ssettag $0x2  }
0x40: {  	s0 =	rddreg [dreg:$0x0];
	s2 =	stileid.u32  }
0x41: {  	s1 =	rddreg [dreg:$0x1];
	p0 =	sne.s32 s2, $0x0  }
0x42: {  	s3 =	rddreg [dreg:$0x2];
	[bflag:$0x3] =	sbarrier.arrive $0xFFFF;
	s2 =	simm.s32 @!p0 $0x1C04  }
0x43: {  	[timem:s3], [sflag:s2] =	dma.local @!p0 [hbm:s0], s1  }
0x44: {  	s0 =	simm.s32 @!p0 $0x4  }
0x45: {  	_ =	swait.ge @!p0 [sflag:s0], s1  }
0x46: {  	s1 =	ssub.s32 @!p0 $0x0, s1;
	[sflag:s0] =	ssyncset.done @!p0 $0x0  }
0x47: {  	[sflag:s0] =	ssyncadd.s32 @!p0 s1  }
0x48: {  	[bflag:$0x3] =	sbarrier.arrive $0xFFFF  }
0x49: {  	_ =	shalt  }

</sc_bundles>
